<compile_context>
chip_gen: v7x
topology: tpu7x:2x2x1
jax: 0.10.2.dev20260603
libtpu: 0.0.44.dev20260713+nightly
codegen_flags: <defaults>
</compile_context>

<pallas_src>
import functools

import jax
import jax.numpy as jnp
from jax import lax
from jax.experimental import pallas as pl
from jax.experimental.pallas import tpu as pltpu
from jax.experimental.pallas import tpu_sc as plsc

_CH = 128
_LANES = 128


def _sc_info():
    try:
        info = plsc.get_sparse_core_info()
        return info.num_cores, info.num_subcores
    except Exception:
        return 2, 16


def _sc_gather(nidx, tidx, uidx, entity_table, user_table, *, nc, ns):
    nw = nc * ns
    n_chunks = nidx.shape[0]
    b_chunks = tidx.shape[0]
    d = entity_table.shape[1]
    assert n_chunks % nw == 0 and b_chunks % nw == 0
    ncw = n_chunks // nw
    bcw = b_chunks // nw

    mesh = plsc.VectorSubcoreMesh(
        core_axis_name="c", subcore_axis_name="s", num_cores=nc,
        num_subcores=ns)

    BK = n_chunks * _CH
    B = b_chunks * _CH

    @functools.partial(
        pl.kernel,
        out_type=[
            jax.ShapeDtypeStruct((BK, d), jnp.float32),
            jax.ShapeDtypeStruct((B, d), jnp.float32),
            jax.ShapeDtypeStruct((B, d), jnp.float32),
        ],
        mesh=mesh,
        compiler_params=pltpu.CompilerParams(use_tc_tiling_on_sc=False),
        scratch_types=[
            pltpu.VMEM((ncw, _CH), jnp.int32),
            pltpu.VMEM((bcw, _CH), jnp.int32),
            pltpu.VMEM((bcw, _CH), jnp.int32),
            pltpu.VMEM((_CH, d), jnp.float32),
            pltpu.SemaphoreType.DMA,
        ],
    )
    def k(nidx_hbm, tidx_hbm, uidx_hbm, etab, utab, out_n, out_t, out_u,
          nidx_v, tidx_v, uidx_v, rows_v, sem):
        wid = lax.axis_index("s") * nc + lax.axis_index("c")

        pltpu.sync_copy(nidx_hbm.at[pl.ds(wid * ncw, ncw)], nidx_v)
        pltpu.sync_copy(tidx_hbm.at[pl.ds(wid * bcw, bcw)], tidx_v)
        pltpu.sync_copy(uidx_hbm.at[pl.ds(wid * bcw, bcw)], uidx_v)

        def run(idx_v, table, out, cpw, _):
            base = wid * cpw * _CH

            def body(j, carry):
                pltpu.async_copy(table.at[idx_v.at[j]], rows_v, sem).wait()
                pltpu.sync_copy(rows_v,
                                out.at[pl.ds(base + j * _CH, _CH)])
                return carry

            lax.fori_loop(0, cpw, body, 0, unroll=False)

        run(nidx_v, etab, out_n, ncw, 0)
        run(tidx_v, etab, out_t, bcw, 1)
        run(uidx_v, utab, out_u, bcw, 2)

    return k(nidx, tidx, uidx, entity_table, user_table)


def _tc_attention_body(k_neigh, d, rows, tgt_ref, neigh_ref, usr_ref,
                       mseg_ref, a2m_ref, mrow_ref, wk_ref, wa1_ref,
                       hsd_ref, out_ref):
    nf = neigh_ref[...]
    t = tgt_ref[...]
    u = usr_ref[...]

    sst = jnp.sum(t * t, axis=1, keepdims=True)
    ts = (t @ wa1_ref[...]) * jnp.minimum(lax.rsqrt(sst), 1.0)

    ssq = (nf * nf) @ mseg_ref[...]
    inv = jnp.minimum(lax.rsqrt(ssq), 1.0)
    dot = nf @ a2m_ref[...]
    e = ts + dot * inv
    e = jnp.where(e > 0, e, 0.2 * e)
    mx = jnp.max(e, axis=1, keepdims=True)
    p = jnp.exp(e - mx)
    coef = (p / jnp.sum(p, axis=1, keepdims=True)) * inv

    cexp = coef @ mrow_ref[...]
    head = (nf * cexp) @ wk_ref[...]

    ssu = jnp.sum(u * u, axis=1, keepdims=True)
    uhs = (u @ hsd_ref[...]) * jnp.minimum(lax.rsqrt(ssu), 1.0)

    uv = jnp.sum(head * uhs, axis=1, keepdims=True)
    out_ref[...] = 1.0 / (1.0 + jnp.exp(-uv))


def _tc_attention(tgt, neigh, usr, w, a, *, b, k_neigh, d, rows):
    h = w.shape[1]
    kd = k_neigh * d
    f32 = jnp.float32

    wa1 = w @ a[:h]
    wa2 = (w @ a[h:])[:, 0]
    seg = (jnp.arange(kd)[:, None] // d
           == jnp.arange(k_neigh)[None, :]).astype(f32)
    a2m = seg * jnp.tile(wa2, k_neigh)[:, None]
    mrow = seg.T
    wk = jnp.tile(w, (k_neigh, 1))
    hsd = (jnp.arange(d)[:, None] % h
           == jnp.arange(h)[None, :]).astype(f32)

    grid = b // rows
    out = pl.pallas_call(
        functools.partial(_tc_attention_body, k_neigh, d, rows),
        grid=(grid,),
        in_specs=[
            pl.BlockSpec((rows, d), lambda g: (g, 0)),
            pl.BlockSpec((rows, kd), lambda g: (g, 0)),
            pl.BlockSpec((rows, d), lambda g: (g, 0)),
            pl.BlockSpec((kd, k_neigh), lambda g: (0, 0)),
            pl.BlockSpec((kd, k_neigh), lambda g: (0, 0)),
            pl.BlockSpec((k_neigh, kd), lambda g: (0, 0)),
            pl.BlockSpec((kd, h), lambda g: (0, 0)),
            pl.BlockSpec((d, 1), lambda g: (0, 0)),
            pl.BlockSpec((d, h), lambda g: (0, 0)),
        ],
        out_specs=pl.BlockSpec((rows, 1), lambda g: (g, 0)),
        out_shape=jax.ShapeDtypeStruct((b, 1), jnp.float32),
    )(tgt, neigh, usr, seg, a2m, mrow, wk, wa1, hsd)
    return out.reshape(b)


def kernel(u, i, neighbors, entity_table, user_table, W, a):
    b, k_neigh = neighbors.shape
    d = entity_table.shape[1]
    nc, ns = _sc_info()

    nidx = neighbors.reshape(b * k_neigh // _CH, _CH).astype(jnp.int32)
    tidx = i.reshape(b // _CH, _CH).astype(jnp.int32)
    uidx = u.reshape(b // _CH, _CH).astype(jnp.int32)

    neigh_g, tgt_g, usr_g = _sc_gather(
        nidx, tidx, uidx, entity_table, user_table, nc=nc, ns=ns)
    neigh_f = neigh_g.reshape(b, k_neigh * d)
    return _tc_attention(tgt_g, neigh_f, usr_g, W, a,
                         b=b, k_neigh=k_neigh, d=d, rows=1024)

# --- scband reference (transcript-rebuilt; emitter-appended) ---
"""Pipeline reference for scband-gat4-rec-16234976379092 (READ-ONLY COPY).

The authoritative reference and input builder live on the scoring server;
editing this copy changes nothing except your own understanding.
"""

import jax, jax.numpy as jnp
import numpy as np

N_USERS = 100000
N_ENTITYS = 1000000
DIM = 32
BATCH = 16384
N_NEIGHBOR = 20
N_HEADS = 2
HEAD_DIM = DIM // N_HEADS


def setup_inputs(seed: int = 0) -> dict:
    key = jax.random.key(seed)
    k1, k2, k3, k4, k5, k6, k7 = jax.random.split(key, 7)
    u = jax.random.randint(k1, (BATCH,), 0, N_USERS, dtype=jnp.int64 if jax.config.jax_enable_x64 else jnp.int32)
    i = jax.random.randint(k2, (BATCH,), 0, N_ENTITYS, dtype=jnp.int64 if jax.config.jax_enable_x64 else jnp.int32)
    neighbors = jax.random.randint(k3, (BATCH, N_NEIGHBOR), 0, N_ENTITYS, dtype=jnp.int64 if jax.config.jax_enable_x64 else jnp.int32)
    entity_table = jax.random.normal(k4, (N_ENTITYS, DIM), dtype=jnp.float32) * 0.1
    user_table = jax.random.normal(k5, (N_USERS, DIM), dtype=jnp.float32) * 0.1
    W = jax.random.normal(k6, (DIM, HEAD_DIM), dtype=jnp.float32) * (1.0 / np.sqrt(DIM))
    a = jax.random.normal(k7, (DIM, 1), dtype=jnp.float32) * (1.0 / np.sqrt(DIM))
    return {"u": u, "i": i, "neighbors": neighbors, "entity_table": entity_table, "user_table": user_table, "W": W, "a": a}


def _embed_maxnorm(table, idx):
    # torch nn.Embedding(max_norm=1): rows with norm > 1 are renormalized to norm 1 at lookup
    e = jnp.take(table, idx, axis=0)
    n = jnp.linalg.norm(e, axis=-1, keepdims=True)
    return e * (1.0 / jnp.maximum(n, 1.0))


def _leaky_relu(x, slope=0.2):
    return jnp.where(x > 0, x, slope * x)


def _one_head_attention(target_emb, neigh_emb, W, a):
    # target_emb: [B, dim], neigh_emb: [B, K, dim]
    tw = target_emb @ W                      # [B, head_dim]
    nw = neigh_emb @ W                       # [B, K, head_dim]
    tb = jnp.broadcast_to(tw[:, None, :], nw.shape)  # [B, K, head_dim]
    cat = jnp.concatenate([tb, nw], axis=-1)         # [B, K, dim]
    eijs = _leaky_relu(cat @ a)                      # [B, K, 1]
    aijs = jax.nn.softmax(eijs, axis=1)              # softmax over neighbors
    out = jnp.sum(aijs * nw, axis=1)                 # [B, head_dim]
    return out


def reference(u, i, neighbors, entity_table, user_table, W, a):
    target = _embed_maxnorm(entity_table, i)          # [B, dim]
    neigh = _embed_maxnorm(entity_table, neighbors)   # [B, K, dim]
    # multiHeadNumber=2, both heads share the same W and a (as in the torch module)
    heads = [_one_head_attention(target, neigh, W, a) for _ in range(N_HEADS)]
    items = jnp.concatenate(heads, axis=-1)           # [B, dim]
    users = _embed_maxnorm(user_table, u)             # [B, dim]
    uv = jnp.sum(users * items, axis=1)               # [B]
    logit = jax.nn.sigmoid(uv)
    return logit

if __name__ == "__main__":
    import jax
    _d = setup_inputs()
    print(jax.jit(kernel)(*tuple(_d.values())))

</pallas_src>

<mosaic_0001>
#map = affine_map<(d0, d1) -> (0, 0)>
module attributes {stable_mosaic.version = 14 : i64} {
  func.func @k(%arg0: i32, %arg1: i32, %arg2: memref<2560x128xi32, #tpu.memory_space<hbm>>, %arg3: memref<128x128xi32, #tpu.memory_space<hbm>>, %arg4: memref<128x128xi32, #tpu.memory_space<hbm>>, %arg5: memref<1000000x32xf32, #tpu.memory_space<hbm>>, %arg6: memref<100000x32xf32, #tpu.memory_space<hbm>>, %arg7: memref<327680x32xf32, #tpu.memory_space<hbm>>, %arg8: memref<16384x32xf32, #tpu.memory_space<hbm>>, %arg9: memref<16384x32xf32, #tpu.memory_space<hbm>>, %arg10: memref<80x128xi32, #tpu.memory_space<vmem>>, %arg11: memref<4x128xi32, #tpu.memory_space<vmem>>, %arg12: memref<4x128xi32, #tpu.memory_space<vmem>>, %arg13: memref<128x32xf32, #tpu.memory_space<vmem>>, %arg14: memref<!tpu.dma_semaphore, #tpu.memory_space<semaphore_mem>>) attributes {dimension_semantics = [#tpu.dimension_semantics<core_parallel>, #tpu.dimension_semantics<subcore_parallel>], iteration_bounds = array<i64: 2, 16>, scalar_prefetch = 0 : i64, scratch_operands = 5 : i64, tpu.core_type = #tpu.core_type<sc_vector_subcore>, window_params = [{transform_indices = #map}, {transform_indices = #map}, {transform_indices = #map}, {transform_indices = #map}, {transform_indices = #map}, {transform_indices = #map}, {transform_indices = #map}, {transform_indices = #map}]} {
    %mul3A = arith.constant 2 : i32
    %mul3A_0 = arith.muli %arg1, %mul3A : i32
    %add3A = arith.addi %mul3A_0, %arg0 : i32
    %mul3A_1 = arith.constant 80 : i32
    %mul3A_2 = arith.muli %add3A, %mul3A_1 : i32
    "tpu.region"() ({
      %run_scoped3A = tpu.sem_alloc : memref<!tpu.dma_semaphore, #tpu.memory_space<semaphore_mem>>
      %dma_start3A = arith.constant 0 : i32
      %dma_start3A_36 = tpu.memref_slice %arg2[%mul3A_2, %dma_start3A] : memref<2560x128xi32, #tpu.memory_space<hbm>> -> memref<80x128xi32, #tpu.memory_space<hbm>>
      %dma_start3A_37 = arith.constant 0 : i32
      %dma_start3A_38 = tpu.memref_slice %arg2[%mul3A_2, %dma_start3A_37] : memref<2560x128xi32, #tpu.memory_space<hbm>> -> memref<80x128xi32, #tpu.memory_space<hbm>>
      tpu.enqueue_dma source(%dma_start3A_38 : memref<80x128xi32, #tpu.memory_space<hbm>>) target(%arg10 : memref<80x128xi32, #tpu.memory_space<vmem>>) target_semaphore(%run_scoped3A : memref<!tpu.dma_semaphore, #tpu.memory_space<semaphore_mem>>)
      %dma_wait3A = arith.constant 0 : i32
      %dma_wait3A_39 = tpu.memref_slice %arg2[%mul3A_2, %dma_wait3A] : memref<2560x128xi32, #tpu.memory_space<hbm>> -> memref<80x128xi32, #tpu.memory_space<hbm>>
      %dma_wait3A_40 = arith.constant 0 : i32
      %dma_wait3A_41 = tpu.memref_slice %arg2[%mul3A_2, %dma_wait3A_40] : memref<2560x128xi32, #tpu.memory_space<hbm>> -> memref<80x128xi32, #tpu.memory_space<hbm>>
      tpu.wait_dma2 semaphore(%run_scoped3A : memref<!tpu.dma_semaphore, #tpu.memory_space<semaphore_mem>>) src(%dma_wait3A_41 : memref<80x128xi32, #tpu.memory_space<hbm>>) dst(%arg10 : memref<80x128xi32, #tpu.memory_space<vmem>>)
      tpu.yield
    }) : () -> ()
    %mul3A_3 = arith.constant 4 : i32
    %mul3A_4 = arith.muli %add3A, %mul3A_3 : i32
    "tpu.region"() ({
      %run_scoped3A = tpu.sem_alloc : memref<!tpu.dma_semaphore, #tpu.memory_space<semaphore_mem>>
      %dma_start3A = arith.constant 0 : i32
      %dma_start3A_36 = tpu.memref_slice %arg3[%mul3A_4, %dma_start3A] : memref<128x128xi32, #tpu.memory_space<hbm>> -> memref<4x128xi32, #tpu.memory_space<hbm>>
      %dma_start3A_37 = arith.constant 0 : i32
      %dma_start3A_38 = tpu.memref_slice %arg3[%mul3A_4, %dma_start3A_37] : memref<128x128xi32, #tpu.memory_space<hbm>> -> memref<4x128xi32, #tpu.memory_space<hbm>>
      tpu.enqueue_dma source(%dma_start3A_38 : memref<4x128xi32, #tpu.memory_space<hbm>>) target(%arg11 : memref<4x128xi32, #tpu.memory_space<vmem>>) target_semaphore(%run_scoped3A : memref<!tpu.dma_semaphore, #tpu.memory_space<semaphore_mem>>)
      %dma_wait3A = arith.constant 0 : i32
      %dma_wait3A_39 = tpu.memref_slice %arg3[%mul3A_4, %dma_wait3A] : memref<128x128xi32, #tpu.memory_space<hbm>> -> memref<4x128xi32, #tpu.memory_space<hbm>>
      %dma_wait3A_40 = arith.constant 0 : i32
      %dma_wait3A_41 = tpu.memref_slice %arg3[%mul3A_4, %dma_wait3A_40] : memref<128x128xi32, #tpu.memory_space<hbm>> -> memref<4x128xi32, #tpu.memory_space<hbm>>
      tpu.wait_dma2 semaphore(%run_scoped3A : memref<!tpu.dma_semaphore, #tpu.memory_space<semaphore_mem>>) src(%dma_wait3A_41 : memref<4x128xi32, #tpu.memory_space<hbm>>) dst(%arg11 : memref<4x128xi32, #tpu.memory_space<vmem>>)
      tpu.yield
    }) : () -> ()
    %mul3A_5 = arith.constant 4 : i32
    %mul3A_6 = arith.muli %add3A, %mul3A_5 : i32
    "tpu.region"() ({
      %run_scoped3A = tpu.sem_alloc : memref<!tpu.dma_semaphore, #tpu.memory_space<semaphore_mem>>
      %dma_start3A = arith.constant 0 : i32
      %dma_start3A_36 = tpu.memref_slice %arg4[%mul3A_6, %dma_start3A] : memref<128x128xi32, #tpu.memory_space<hbm>> -> memref<4x128xi32, #tpu.memory_space<hbm>>
      %dma_start3A_37 = arith.constant 0 : i32
      %dma_start3A_38 = tpu.memref_slice %arg4[%mul3A_6, %dma_start3A_37] : memref<128x128xi32, #tpu.memory_space<hbm>> -> memref<4x128xi32, #tpu.memory_space<hbm>>
      tpu.enqueue_dma source(%dma_start3A_38 : memref<4x128xi32, #tpu.memory_space<hbm>>) target(%arg12 : memref<4x128xi32, #tpu.memory_space<vmem>>) target_semaphore(%run_scoped3A : memref<!tpu.dma_semaphore, #tpu.memory_space<semaphore_mem>>)
      %dma_wait3A = arith.constant 0 : i32
      %dma_wait3A_39 = tpu.memref_slice %arg4[%mul3A_6, %dma_wait3A] : memref<128x128xi32, #tpu.memory_space<hbm>> -> memref<4x128xi32, #tpu.memory_space<hbm>>
      %dma_wait3A_40 = arith.constant 0 : i32
      %dma_wait3A_41 = tpu.memref_slice %arg4[%mul3A_6, %dma_wait3A_40] : memref<128x128xi32, #tpu.memory_space<hbm>> -> memref<4x128xi32, #tpu.memory_space<hbm>>
      tpu.wait_dma2 semaphore(%run_scoped3A : memref<!tpu.dma_semaphore, #tpu.memory_space<semaphore_mem>>) src(%dma_wait3A_41 : memref<4x128xi32, #tpu.memory_space<hbm>>) dst(%arg12 : memref<4x128xi32, #tpu.memory_space<vmem>>)
      tpu.yield
    }) : () -> ()
    %mul3A_7 = arith.constant 80 : i32
    %mul3A_8 = arith.muli %add3A, %mul3A_7 : i32
    %mul3A_9 = arith.constant 128 : i32
    %mul3A_10 = arith.muli %mul3A_8, %mul3A_9 : i32
    %scan3A = arith.constant 0 : i32
    %scan3A_11 = arith.constant 0 : i32
    %scan3A_12 = arith.constant 80 : i32
    %scan3A_13 = arith.addi %scan3A_11, %scan3A_12 : i32
    %scan3A_14 = arith.constant 1 : i32
    scf.for %scan3A_36 = %scan3A_11 to %scan3A_13 step %scan3A_14  : i32 {
      %dma_start3A = arith.constant 0 : i32
      %dma_start3A_37 = tpu.memref_slice %arg10[%scan3A_36, %dma_start3A] : memref<80x128xi32, #tpu.memory_space<vmem>> -> memref<1x128xi32, #tpu.memory_space<vmem>>
      %dma_start3A_38 = tpu.memref_squeeze %dma_start3A_37 : memref<1x128xi32, #tpu.memory_space<vmem>> -> memref<128xi32, #tpu.memory_space<vmem>>
      %dma_start3A_39 = arith.constant 0 : i32
      %dma_start3A_40 = arith.constant 0 : i32
      %dma_start3A_41 = tpu.memref_slice %arg5[%dma_start3A_39, %dma_start3A_40] : memref<1000000x32xf32, #tpu.memory_space<hbm>> -> memref<1000000x32xf32, #tpu.memory_space<hbm>>
      tpu.enqueue_indirect_dma source(%dma_start3A_41 : memref<1000000x32xf32, #tpu.memory_space<hbm>>) target(%arg13 : memref<128x32xf32, #tpu.memory_space<vmem>>) offsets(%dma_start3A_38 : memref<128xi32, #tpu.memory_space<vmem>>) semaphore(%arg14 : memref<!tpu.dma_semaphore, #tpu.memory_space<semaphore_mem>>)
      %dma_wait3A = arith.constant 0 : i32
      %dma_wait3A_42 = tpu.memref_slice %arg10[%scan3A_36, %dma_wait3A] : memref<80x128xi32, #tpu.memory_space<vmem>> -> memref<1x128xi32, #tpu.memory_space<vmem>>
      %dma_wait3A_43 = tpu.memref_squeeze %dma_wait3A_42 : memref<1x128xi32, #tpu.memory_space<vmem>> -> memref<128xi32, #tpu.memory_space<vmem>>
      %dma_wait3A_44 = arith.constant 0 : i32
      %dma_wait3A_45 = arith.constant 0 : i32
      %dma_wait3A_46 = tpu.memref_slice %arg5[%dma_wait3A_44, %dma_wait3A_45] : memref<1000000x32xf32, #tpu.memory_space<hbm>> -> memref<1000000x32xf32, #tpu.memory_space<hbm>>
      tpu.wait_indirect_dma semaphore(%arg14 : memref<!tpu.dma_semaphore, #tpu.memory_space<semaphore_mem>>) src(%dma_wait3A_46 : memref<1000000x32xf32, #tpu.memory_space<hbm>>) dst(%arg13 : memref<128x32xf32, #tpu.memory_space<vmem>>)
      %mul3A_47 = arith.constant 128 : i32
      %mul3A_48 = arith.muli %scan3A_36, %mul3A_47 : i32
      %add3A_49 = arith.addi %mul3A_10, %mul3A_48 : i32
      "tpu.region"() ({
        %run_scoped3A = tpu.sem_alloc : memref<!tpu.dma_semaphore, #tpu.memory_space<semaphore_mem>>
        %dma_start3A_50 = arith.constant 0 : i32
        %dma_start3A_51 = tpu.memref_slice %arg7[%add3A_49, %dma_start3A_50] : memref<327680x32xf32, #tpu.memory_space<hbm>> -> memref<128x32xf32, #tpu.memory_space<hbm>>
        %dma_start3A_52 = arith.constant 0 : i32
        %dma_start3A_53 = tpu.memref_slice %arg7[%add3A_49, %dma_start3A_52] : memref<327680x32xf32, #tpu.memory_space<hbm>> -> memref<128x32xf32, #tpu.memory_space<hbm>>
        tpu.enqueue_dma source(%arg13 : memref<128x32xf32, #tpu.memory_space<vmem>>) target(%dma_start3A_53 : memref<128x32xf32, #tpu.memory_space<hbm>>) target_semaphore(%run_scoped3A : memref<!tpu.dma_semaphore, #tpu.memory_space<semaphore_mem>>)
        %dma_wait3A_54 = arith.constant 0 : i32
        %dma_wait3A_55 = tpu.memref_slice %arg7[%add3A_49, %dma_wait3A_54] : memref<327680x32xf32, #tpu.memory_space<hbm>> -> memref<128x32xf32, #tpu.memory_space<hbm>>
        %dma_wait3A_56 = arith.constant 0 : i32
        %dma_wait3A_57 = tpu.memref_slice %arg7[%add3A_49, %dma_wait3A_56] : memref<327680x32xf32, #tpu.memory_space<hbm>> -> memref<128x32xf32, #tpu.memory_space<hbm>>
        tpu.wait_dma2 semaphore(%run_scoped3A : memref<!tpu.dma_semaphore, #tpu.memory_space<semaphore_mem>>) src(%arg13 : memref<128x32xf32, #tpu.memory_space<vmem>>) dst(%dma_wait3A_57 : memref<128x32xf32, #tpu.memory_space<hbm>>)
        tpu.yield
      }) : () -> ()
    }
    %scan3A_15 = arith.constant 80 : i32
    %mul3A_16 = arith.constant 4 : i32
    %mul3A_17 = arith.muli %add3A, %mul3A_16 : i32
    %mul3A_18 = arith.constant 128 : i32
    %mul3A_19 = arith.muli %mul3A_17, %mul3A_18 : i32
    %scan3A_20 = arith.constant 0 : i32
    %scan3A_21 = arith.constant 0 : i32
    %scan3A_22 = arith.constant 4 : i32
    %scan3A_23 = arith.addi %scan3A_21, %scan3A_22 : i32
    %scan3A_24 = arith.constant 1 : i32
    scf.for %scan3A_36 = %scan3A_21 to %scan3A_23 step %scan3A_24  : i32 {
      %dma_start3A = arith.constant 0 : i32
      %dma_start3A_37 = tpu.memref_slice %arg11[%scan3A_36, %dma_start3A] : memref<4x128xi32, #tpu.memory_space<vmem>> -> memref<1x128xi32, #tpu.memory_space<vmem>>
      %dma_start3A_38 = tpu.memref_squeeze %dma_start3A_37 : memref<1x128xi32, #tpu.memory_space<vmem>> -> memref<128xi32, #tpu.memory_space<vmem>>
      %dma_start3A_39 = arith.constant 0 : i32
      %dma_start3A_40 = arith.constant 0 : i32
      %dma_start3A_41 = tpu.memref_slice %arg5[%dma_start3A_39, %dma_start3A_40] : memref<1000000x32xf32, #tpu.memory_space<hbm>> -> memref<1000000x32xf32, #tpu.memory_space<hbm>>
      tpu.enqueue_indirect_dma source(%dma_start3A_41 : memref<1000000x32xf32, #tpu.memory_space<hbm>>) target(%arg13 : memref<128x32xf32, #tpu.memory_space<vmem>>) offsets(%dma_start3A_38 : memref<128xi32, #tpu.memory_space<vmem>>) semaphore(%arg14 : memref<!tpu.dma_semaphore, #tpu.memory_space<semaphore_mem>>)
      %dma_wait3A = arith.constant 0 : i32
      %dma_wait3A_42 = tpu.memref_slice %arg11[%scan3A_36, %dma_wait3A] : memref<4x128xi32, #tpu.memory_space<vmem>> -> memref<1x128xi32, #tpu.memory_space<vmem>>
      %dma_wait3A_43 = tpu.memref_squeeze %dma_wait3A_42 : memref<1x128xi32, #tpu.memory_space<vmem>> -> memref<128xi32, #tpu.memory_space<vmem>>
      %dma_wait3A_44 = arith.constant 0 : i32
      %dma_wait3A_45 = arith.constant 0 : i32
      %dma_wait3A_46 = tpu.memref_slice %arg5[%dma_wait3A_44, %dma_wait3A_45] : memref<1000000x32xf32, #tpu.memory_space<hbm>> -> memref<1000000x32xf32, #tpu.memory_space<hbm>>
      tpu.wait_indirect_dma semaphore(%arg14 : memref<!tpu.dma_semaphore, #tpu.memory_space<semaphore_mem>>) src(%dma_wait3A_46 : memref<1000000x32xf32, #tpu.memory_space<hbm>>) dst(%arg13 : memref<128x32xf32, #tpu.memory_space<vmem>>)
      %mul3A_47 = arith.constant 128 : i32
      %mul3A_48 = arith.muli %scan3A_36, %mul3A_47 : i32
      %add3A_49 = arith.addi %mul3A_19, %mul3A_48 : i32
      "tpu.region"() ({
        %run_scoped3A = tpu.sem_alloc : memref<!tpu.dma_semaphore, #tpu.memory_space<semaphore_mem>>
        %dma_start3A_50 = arith.constant 0 : i32
        %dma_start3A_51 = tpu.memref_slice %arg8[%add3A_49, %dma_start3A_50] : memref<16384x32xf32, #tpu.memory_space<hbm>> -> memref<128x32xf32, #tpu.memory_space<hbm>>
        %dma_start3A_52 = arith.constant 0 : i32
        %dma_start3A_53 = tpu.memref_slice %arg8[%add3A_49, %dma_start3A_52] : memref<16384x32xf32, #tpu.memory_space<hbm>> -> memref<128x32xf32, #tpu.memory_space<hbm>>
        tpu.enqueue_dma source(%arg13 : memref<128x32xf32, #tpu.memory_space<vmem>>) target(%dma_start3A_53 : memref<128x32xf32, #tpu.memory_space<hbm>>) target_semaphore(%run_scoped3A : memref<!tpu.dma_semaphore, #tpu.memory_space<semaphore_mem>>)
        %dma_wait3A_54 = arith.constant 0 : i32
        %dma_wait3A_55 = tpu.memref_slice %arg8[%add3A_49, %dma_wait3A_54] : memref<16384x32xf32, #tpu.memory_space<hbm>> -> memref<128x32xf32, #tpu.memory_space<hbm>>
        %dma_wait3A_56 = arith.constant 0 : i32
        %dma_wait3A_57 = tpu.memref_slice %arg8[%add3A_49, %dma_wait3A_56] : memref<16384x32xf32, #tpu.memory_space<hbm>> -> memref<128x32xf32, #tpu.memory_space<hbm>>
        tpu.wait_dma2 semaphore(%run_scoped3A : memref<!tpu.dma_semaphore, #tpu.memory_space<semaphore_mem>>) src(%arg13 : memref<128x32xf32, #tpu.memory_space<vmem>>) dst(%dma_wait3A_57 : memref<128x32xf32, #tpu.memory_space<hbm>>)
        tpu.yield
      }) : () -> ()
    }
    %scan3A_25 = arith.constant 4 : i32
    %mul3A_26 = arith.constant 4 : i32
    %mul3A_27 = arith.muli %add3A, %mul3A_26 : i32
    %mul3A_28 = arith.constant 128 : i32
    %mul3A_29 = arith.muli %mul3A_27, %mul3A_28 : i32
    %scan3A_30 = arith.constant 0 : i32
    %scan3A_31 = arith.constant 0 : i32
    %scan3A_32 = arith.constant 4 : i32
    %scan3A_33 = arith.addi %scan3A_31, %scan3A_32 : i32
    %scan3A_34 = arith.constant 1 : i32
    scf.for %scan3A_36 = %scan3A_31 to %scan3A_33 step %scan3A_34  : i32 {
      %dma_start3A = arith.constant 0 : i32
      %dma_start3A_37 = tpu.memref_slice %arg12[%scan3A_36, %dma_start3A] : memref<4x128xi32, #tpu.memory_space<vmem>> -> memref<1x128xi32, #tpu.memory_space<vmem>>
      %dma_start3A_38 = tpu.memref_squeeze %dma_start3A_37 : memref<1x128xi32, #tpu.memory_space<vmem>> -> memref<128xi32, #tpu.memory_space<vmem>>
      %dma_start3A_39 = arith.constant 0 : i32
      %dma_start3A_40 = arith.constant 0 : i32
      %dma_start3A_41 = tpu.memref_slice %arg6[%dma_start3A_39, %dma_start3A_40] : memref<100000x32xf32, #tpu.memory_space<hbm>> -> memref<100000x32xf32, #tpu.memory_space<hbm>>
      tpu.enqueue_indirect_dma source(%dma_start3A_41 : memref<100000x32xf32, #tpu.memory_space<hbm>>) target(%arg13 : memref<128x32xf32, #tpu.memory_space<vmem>>) offsets(%dma_start3A_38 : memref<128xi32, #tpu.memory_space<vmem>>) semaphore(%arg14 : memref<!tpu.dma_semaphore, #tpu.memory_space<semaphore_mem>>)
      %dma_wait3A = arith.constant 0 : i32
      %dma_wait3A_42 = tpu.memref_slice %arg12[%scan3A_36, %dma_wait3A] : memref<4x128xi32, #tpu.memory_space<vmem>> -> memref<1x128xi32, #tpu.memory_space<vmem>>
      %dma_wait3A_43 = tpu.memref_squeeze %dma_wait3A_42 : memref<1x128xi32, #tpu.memory_space<vmem>> -> memref<128xi32, #tpu.memory_space<vmem>>
      %dma_wait3A_44 = arith.constant 0 : i32
      %dma_wait3A_45 = arith.constant 0 : i32
      %dma_wait3A_46 = tpu.memref_slice %arg6[%dma_wait3A_44, %dma_wait3A_45] : memref<100000x32xf32, #tpu.memory_space<hbm>> -> memref<100000x32xf32, #tpu.memory_space<hbm>>
      tpu.wait_indirect_dma semaphore(%arg14 : memref<!tpu.dma_semaphore, #tpu.memory_space<semaphore_mem>>) src(%dma_wait3A_46 : memref<100000x32xf32, #tpu.memory_space<hbm>>) dst(%arg13 : memref<128x32xf32, #tpu.memory_space<vmem>>)
      %mul3A_47 = arith.constant 128 : i32
      %mul3A_48 = arith.muli %scan3A_36, %mul3A_47 : i32
      %add3A_49 = arith.addi %mul3A_29, %mul3A_48 : i32
      "tpu.region"() ({
        %run_scoped3A = tpu.sem_alloc : memref<!tpu.dma_semaphore, #tpu.memory_space<semaphore_mem>>
        %dma_start3A_50 = arith.constant 0 : i32
        %dma_start3A_51 = tpu.memref_slice %arg9[%add3A_49, %dma_start3A_50] : memref<16384x32xf32, #tpu.memory_space<hbm>> -> memref<128x32xf32, #tpu.memory_space<hbm>>
        %dma_start3A_52 = arith.constant 0 : i32
        %dma_start3A_53 = tpu.memref_slice %arg9[%add3A_49, %dma_start3A_52] : memref<16384x32xf32, #tpu.memory_space<hbm>> -> memref<128x32xf32, #tpu.memory_space<hbm>>
        tpu.enqueue_dma source(%arg13 : memref<128x32xf32, #tpu.memory_space<vmem>>) target(%dma_start3A_53 : memref<128x32xf32, #tpu.memory_space<hbm>>) target_semaphore(%run_scoped3A : memref<!tpu.dma_semaphore, #tpu.memory_space<semaphore_mem>>)
        %dma_wait3A_54 = arith.constant 0 : i32
        %dma_wait3A_55 = tpu.memref_slice %arg9[%add3A_49, %dma_wait3A_54] : memref<16384x32xf32, #tpu.memory_space<hbm>> -> memref<128x32xf32, #tpu.memory_space<hbm>>
        %dma_wait3A_56 = arith.constant 0 : i32
        %dma_wait3A_57 = tpu.memref_slice %arg9[%add3A_49, %dma_wait3A_56] : memref<16384x32xf32, #tpu.memory_space<hbm>> -> memref<128x32xf32, #tpu.memory_space<hbm>>
        tpu.wait_dma2 semaphore(%run_scoped3A : memref<!tpu.dma_semaphore, #tpu.memory_space<semaphore_mem>>) src(%arg13 : memref<128x32xf32, #tpu.memory_space<vmem>>) dst(%dma_wait3A_57 : memref<128x32xf32, #tpu.memory_space<hbm>>)
        tpu.yield
      }) : () -> ()
    }
    %scan3A_35 = arith.constant 4 : i32
    return
  }
}

module attributes {stable_mosaic.version = 14 : i64} {
  func.func @_tc_attention_body(%arg0: i32, %arg1: memref<1024x32xf32, #tpu.memory_space<vmem>>, %arg2: memref<1024x640xf32, #tpu.memory_space<vmem>>, %arg3: memref<1024x32xf32, #tpu.memory_space<vmem>>, %arg4: memref<640x20xf32, #tpu.memory_space<vmem>>, %arg5: memref<640x20xf32, #tpu.memory_space<vmem>>, %arg6: memref<20x640xf32, #tpu.memory_space<vmem>>, %arg7: memref<640x16xf32, #tpu.memory_space<vmem>>, %arg8: memref<32x1xf32, #tpu.memory_space<vmem>>, %arg9: memref<32x16xf32, #tpu.memory_space<vmem>>, %arg10: memref<1024x1xf32, #tpu.memory_space<vmem>>) attributes {dimension_semantics = [#tpu.dimension_semantics<arbitrary>], iteration_bounds = array<i64: 16>, scalar_prefetch = 0 : i64, scratch_operands = 0 : i64, tpu.core_type = #tpu.core_type<tc>, window_params = [{transform_indices = @transform_0, window_bounds = array<i64: 1024, 32>}, {transform_indices = @transform_1, window_bounds = array<i64: 1024, 640>}, {transform_indices = @transform_2, window_bounds = array<i64: 1024, 32>}, {pipeline_mode = #tpu.pipeline_mode<synchronous>, transform_indices = @transform_3, window_bounds = array<i64: 640, 20>}, {pipeline_mode = #tpu.pipeline_mode<synchronous>, transform_indices = @transform_4, window_bounds = array<i64: 640, 20>}, {pipeline_mode = #tpu.pipeline_mode<synchronous>, transform_indices = @transform_5, window_bounds = array<i64: 20, 640>}, {pipeline_mode = #tpu.pipeline_mode<synchronous>, transform_indices = @transform_6, window_bounds = array<i64: 640, 16>}, {pipeline_mode = #tpu.pipeline_mode<synchronous>, transform_indices = @transform_7, window_bounds = array<i64: 32, 1>}, {pipeline_mode = #tpu.pipeline_mode<synchronous>, transform_indices = @transform_8, window_bounds = array<i64: 32, 16>}, {transform_indices = @transform_9, window_bounds = array<i64: 1024, 1>}]} {
    %get3A = arith.constant 0 : index
    %get3A_0 = arith.constant 0 : index
    %get3A_1 = vector.load %arg2[%get3A, %get3A_0] : memref<1024x640xf32, #tpu.memory_space<vmem>>, vector<1024x640xf32>
    %get3A_2 = arith.constant 0 : index
    %get3A_3 = arith.constant 0 : index
    %get3A_4 = vector.load %arg1[%get3A_2, %get3A_3] : memref<1024x32xf32, #tpu.memory_space<vmem>>, vector<1024x32xf32>
    %get3A_5 = arith.constant 0 : index
    %get3A_6 = arith.constant 0 : index
    %get3A_7 = vector.load %arg3[%get3A_5, %get3A_6] : memref<1024x32xf32, #tpu.memory_space<vmem>>, vector<1024x32xf32>
    %mul3A = arith.mulf %get3A_4, %get3A_4 : vector<1024x32xf32>
    %reduce_sum3A = arith.constant dense<0.000000e+00> : vector<1024xf32>
    %reduce_sum3A_8 = vector.multi_reduction <add>, %mul3A, %reduce_sum3A [1] : vector<1024x32xf32> to vector<1024xf32>
    %broadcast_in_dim3A = vector.shape_cast %reduce_sum3A_8 : vector<1024xf32> to vector<1024x1xf32>
    %get3A_9 = arith.constant 0 : index
    %get3A_10 = arith.constant 0 : index
    %get3A_11 = vector.load %arg8[%get3A_9, %get3A_10] : memref<32x1xf32, #tpu.memory_space<vmem>>, vector<32x1xf32>
    %dot_general3A = arith.constant dense<0.000000e+00> : vector<1024x1xf32>
    %dot_general3A_12 = tpu.matmul %get3A_4, %get3A_11, %dot_general3A {dimension_numbers = #tpu.dot_dimension_numbers<[1], [0], [0], [1], [0, 0, 1, 1], [], []>, transpose_lhs_hint = false} : vector<1024x32xf32>, vector<32x1xf32>, vector<1024x1xf32> -> vector<1024x1xf32>
    %rsqrt3A = math.rsqrt %broadcast_in_dim3A : vector<1024x1xf32>
    %min3A = arith.constant 1.000000e+00 : f32
    %min3A_13 = vector.broadcast %min3A : f32 to vector<1024x1xf32>
    %min3A_14 = arith.minimumf %rsqrt3A, %min3A_13 : vector<1024x1xf32>
    %mul3A_15 = arith.mulf %dot_general3A_12, %min3A_14 : vector<1024x1xf32>
    %mul3A_16 = arith.mulf %get3A_1, %get3A_1 : vector<1024x640xf32>
    %get3A_17 = arith.constant 0 : index
    %get3A_18 = arith.constant 0 : index
    %get3A_19 = vector.load %arg4[%get3A_17, %get3A_18] : memref<640x20xf32, #tpu.memory_space<vmem>>, vector<640x20xf32>
    %dot_general3A_20 = arith.constant dense<0.000000e+00> : vector<1024x20xf32>
    %dot_general3A_21 = tpu.matmul %mul3A_16, %get3A_19, %dot_general3A_20 {dimension_numbers = #tpu.dot_dimension_numbers<[1], [0], [0], [1], [0, 0, 1, 1], [], []>, transpose_lhs_hint = false} : vector<1024x640xf32>, vector<640x20xf32>, vector<1024x20xf32> -> vector<1024x20xf32>
    %rsqrt3A_22 = math.rsqrt %dot_general3A_21 : vector<1024x20xf32>
    %min3A_23 = arith.constant 1.000000e+00 : f32
    %min3A_24 = vector.broadcast %min3A_23 : f32 to vector<1024x20xf32>
    %min3A_25 = arith.minimumf %rsqrt3A_22, %min3A_24 : vector<1024x20xf32>
    %get3A_26 = arith.constant 0 : index
    %get3A_27 = arith.constant 0 : index
    %get3A_28 = vector.load %arg5[%get3A_26, %get3A_27] : memref<640x20xf32, #tpu.memory_space<vmem>>, vector<640x20xf32>
    %dot_general3A_29 = arith.constant dense<0.000000e+00> : vector<1024x20xf32>
    %dot_general3A_30 = tpu.matmul %get3A_1, %get3A_28, %dot_general3A_29 {dimension_numbers = #tpu.dot_dimension_numbers<[1], [0], [0], [1], [0, 0, 1, 1], [], []>, transpose_lhs_hint = false} : vector<1024x640xf32>, vector<640x20xf32>, vector<1024x20xf32> -> vector<1024x20xf32>
    %mul3A_31 = arith.mulf %dot_general3A_30, %min3A_25 : vector<1024x20xf32>
    %add3A = vector.broadcast %mul3A_15 : vector<1024x1xf32> to vector<1024x20xf32>
    %add3A_32 = arith.addf %add3A, %mul3A_31 : vector<1024x20xf32>
    %gt3A = arith.constant 0.000000e+00 : f32
    %gt3A_33 = vector.broadcast %gt3A : f32 to vector<1024x20xf32>
    %gt3A_34 = arith.cmpf ogt, %add3A_32, %gt3A_33 : vector<1024x20xf32>
    %mul3A_35 = arith.constant 2.000000e-01 : f32
    %mul3A_36 = vector.broadcast %mul3A_35 : f32 to vector<1024x20xf32>
    %mul3A_37 = arith.mulf %mul3A_36, %add3A_32 : vector<1024x20xf32>
    %select_n3A = arith.select %gt3A_34, %add3A_32, %mul3A_37 : vector<1024x20xi1>, vector<1024x20xf32>
    %reduce_max3A = arith.constant dense<0xFF800000> : vector<1024xf32>
    %reduce_max3A_38 = vector.multi_reduction <maximumf>, %select_n3A, %reduce_max3A [1] : vector<1024x20xf32> to vector<1024xf32>
    %broadcast_in_dim3A_39 = vector.shape_cast %reduce_max3A_38 : vector<1024xf32> to vector<1024x1xf32>
    %sub3A = vector.broadcast %broadcast_in_dim3A_39 : vector<1024x1xf32> to vector<1024x20xf32>
    %sub3A_40 = arith.subf %select_n3A, %sub3A : vector<1024x20xf32>
    %exp3A = math.exp %sub3A_40 : vector<1024x20xf32>
    %reduce_sum3A_41 = arith.constant dense<0.000000e+00> : vector<1024xf32>
    %reduce_sum3A_42 = vector.multi_reduction <add>, %exp3A, %reduce_sum3A_41 [1] : vector<1024x20xf32> to vector<1024xf32>
    %broadcast_in_dim3A_43 = vector.shape_cast %reduce_sum3A_42 : vector<1024xf32> to vector<1024x1xf32>
    %div3A = vector.broadcast %broadcast_in_dim3A_43 : vector<1024x1xf32> to vector<1024x20xf32>
    %div3A_44 = arith.divf %exp3A, %div3A : vector<1024x20xf32>
    %mul3A_45 = arith.mulf %div3A_44, %min3A_25 : vector<1024x20xf32>
    %get3A_46 = arith.constant 0 : index
    %get3A_47 = arith.constant 0 : index
    %get3A_48 = vector.load %arg6[%get3A_46, %get3A_47] : memref<20x640xf32, #tpu.memory_space<vmem>>, vector<20x640xf32>
    %dot_general3A_49 = arith.constant dense<0.000000e+00> : vector<1024x640xf32>
    %dot_general3A_50 = tpu.matmul %mul3A_45, %get3A_48, %dot_general3A_49 {dimension_numbers = #tpu.dot_dimension_numbers<[1], [0], [0], [1], [0, 0, 1, 1], [], []>, transpose_lhs_hint = false} : vector<1024x20xf32>, vector<20x640xf32>, vector<1024x640xf32> -> vector<1024x640xf32>
    %mul3A_51 = arith.mulf %get3A_1, %dot_general3A_50 : vector<1024x640xf32>
    %get3A_52 = arith.constant 0 : index
    %get3A_53 = arith.constant 0 : index
    %get3A_54 = vector.load %arg7[%get3A_52, %get3A_53] : memref<640x16xf32, #tpu.memory_space<vmem>>, vector<640x16xf32>
    %dot_general3A_55 = arith.constant dense<0.000000e+00> : vector<1024x16xf32>
    %dot_general3A_56 = tpu.matmul %mul3A_51, %get3A_54, %dot_general3A_55 {dimension_numbers = #tpu.dot_dimension_numbers<[1], [0], [0], [1], [0, 0, 1, 1], [], []>, transpose_lhs_hint = false} : vector<1024x640xf32>, vector<640x16xf32>, vector<1024x16xf32> -> vector<1024x16xf32>
    %mul3A_57 = arith.mulf %get3A_7, %get3A_7 : vector<1024x32xf32>
    %reduce_sum3A_58 = arith.constant dense<0.000000e+00> : vector<1024xf32>
    %reduce_sum3A_59 = vector.multi_reduction <add>, %mul3A_57, %reduce_sum3A_58 [1] : vector<1024x32xf32> to vector<1024xf32>
    %broadcast_in_dim3A_60 = vector.shape_cast %reduce_sum3A_59 : vector<1024xf32> to vector<1024x1xf32>
    %get3A_61 = arith.constant 0 : index
    %get3A_62 = arith.constant 0 : index
    %get3A_63 = vector.load %arg9[%get3A_61, %get3A_62] : memref<32x16xf32, #tpu.memory_space<vmem>>, vector<32x16xf32>
    %dot_general3A_64 = arith.constant dense<0.000000e+00> : vector<1024x16xf32>
    %dot_general3A_65 = tpu.matmul %get3A_7, %get3A_63, %dot_general3A_64 {dimension_numbers = #tpu.dot_dimension_numbers<[1], [0], [0], [1], [0, 0, 1, 1], [], []>, transpose_lhs_hint = false} : vector<1024x32xf32>, vector<32x16xf32>, vector<1024x16xf32> -> vector<1024x16xf32>
    %rsqrt3A_66 = math.rsqrt %broadcast_in_dim3A_60 : vector<1024x1xf32>
    %min3A_67 = arith.constant 1.000000e+00 : f32
    %min3A_68 = vector.broadcast %min3A_67 : f32 to vector<1024x1xf32>
    %min3A_69 = arith.minimumf %rsqrt3A_66, %min3A_68 : vector<1024x1xf32>
    %mul3A_70 = vector.broadcast %min3A_69 : vector<1024x1xf32> to vector<1024x16xf32>
    %mul3A_71 = arith.mulf %dot_general3A_65, %mul3A_70 : vector<1024x16xf32>
    %mul3A_72 = arith.mulf %dot_general3A_56, %mul3A_71 : vector<1024x16xf32>
    %reduce_sum3A_73 = arith.constant dense<0.000000e+00> : vector<1024xf32>
    %reduce_sum3A_74 = vector.multi_reduction <add>, %mul3A_72, %reduce_sum3A_73 [1] : vector<1024x16xf32> to vector<1024xf32>
    %broadcast_in_dim3A_75 = vector.shape_cast %reduce_sum3A_74 : vector<1024xf32> to vector<1024x1xf32>
    %neg3A = arith.constant 0.000000e+00 : f32
    %neg3A_76 = vector.broadcast %neg3A : f32 to vector<1024x1xf32>
    %neg3A_77 = arith.subf %neg3A_76, %broadcast_in_dim3A_75 : vector<1024x1xf32>
    %exp3A_78 = math.exp %neg3A_77 : vector<1024x1xf32>
    %add3A_79 = arith.constant 1.000000e+00 : f32
    %add3A_80 = vector.broadcast %add3A_79 : f32 to vector<1024x1xf32>
    %add3A_81 = arith.addf %add3A_80, %exp3A_78 : vector<1024x1xf32>
    %div3A_82 = arith.constant 1.000000e+00 : f32
    %div3A_83 = vector.broadcast %div3A_82 : f32 to vector<1024x1xf32>
    %div3A_84 = arith.divf %div3A_83, %add3A_81 : vector<1024x1xf32>
    %swap3A = arith.constant 0 : index
    %swap3A_85 = arith.constant 0 : index
    %swap3A_86 = vector.load %arg10[%swap3A, %swap3A_85] : memref<1024x1xf32, #tpu.memory_space<vmem>>, vector<1024x1xf32>
    tpu.vector_store %arg10[%swap3A, %swap3A_85], %div3A_84 {strides = array<i32>} : memref<1024x1xf32, #tpu.memory_space<vmem>>, vector<1024x1xf32>,
    return
  }
  func.func @transform_0(%arg0: i32) -> (i32, i32) {
    %c0_i32 = arith.constant 0 : i32
    %c0_i32_0 = arith.constant 0 : i32
    return %arg0, %c0_i32 : i32, i32
  }
  func.func @transform_1(%arg0: i32) -> (i32, i32) {
    %c0_i32 = arith.constant 0 : i32
    %c0_i32_0 = arith.constant 0 : i32
    return %arg0, %c0_i32 : i32, i32
  }
  func.func @transform_2(%arg0: i32) -> (i32, i32) {
    %c0_i32 = arith.constant 0 : i32
    %c0_i32_0 = arith.constant 0 : i32
    return %arg0, %c0_i32 : i32, i32
  }
  func.func @transform_3(%arg0: i32) -> (i32, i32) {
    %c0_i32 = arith.constant 0 : i32
    %c0_i32_0 = arith.constant 0 : i32
    %c0_i32_1 = arith.constant 0 : i32
    return %c0_i32, %c0_i32_0 : i32, i32
  }
  func.func @transform_4(%arg0: i32) -> (i32, i32) {
    %c0_i32 = arith.constant 0 : i32
    %c0_i32_0 = arith.constant 0 : i32
    %c0_i32_1 = arith.constant 0 : i32
    return %c0_i32, %c0_i32_0 : i32, i32
  }
  func.func @transform_5(%arg0: i32) -> (i32, i32) {
    %c0_i32 = arith.constant 0 : i32
    %c0_i32_0 = arith.constant 0 : i32
    %c0_i32_1 = arith.constant 0 : i32
    return %c0_i32, %c0_i32_0 : i32, i32
  }
  func.func @transform_6(%arg0: i32) -> (i32, i32) {
    %c0_i32 = arith.constant 0 : i32
    %c0_i32_0 = arith.constant 0 : i32
    %c0_i32_1 = arith.constant 0 : i32
    return %c0_i32, %c0_i32_0 : i32, i32
  }
  func.func @transform_7(%arg0: i32) -> (i32, i32) {
    %c0_i32 = arith.constant 0 : i32
    %c0_i32_0 = arith.constant 0 : i32
    %c0_i32_1 = arith.constant 0 : i32
    return %c0_i32, %c0_i32_0 : i32, i32
  }
  func.func @transform_8(%arg0: i32) -> (i32, i32) {
    %c0_i32 = arith.constant 0 : i32
    %c0_i32_0 = arith.constant 0 : i32
    %c0_i32_1 = arith.constant 0 : i32
    return %c0_i32, %c0_i32_0 : i32, i32
  }
  func.func @transform_9(%arg0: i32) -> (i32, i32) {
    %c0_i32 = arith.constant 0 : i32
    %c0_i32_0 = arith.constant 0 : i32
    return %arg0, %c0_i32 : i32, i32
  }
}

</mosaic_0001>

<sc_bundles>
// kernel: kernel.4.cloned.1.call-start
scs
__scs_entry_jumppad:
0x0: {  	(pc) =	sbr.rel $0x88, $3  }
0x1: {  	(tag) =	ssettag $0x0;
	lr =	simm.s32 $0x1  }
0x2: {  	[smem:$0x3F9A] =	sst lr;
	_ =	strace $0xD0000000  }
0x3: {  	_ = 	snop  }
0x4: {  	_ = 	snop  }
0x5: {  	_ = 	snop  }
0x6: {  	_ = 	snop  }
0x7: {  	_ = 	snop  }
__scs_overlays_trampoline_lowered:
0x8: {  	[smem:$0x3FA9] =	sst s0  }
0x9: {  	[smem:$0x3FAA] =	sst s1  }
0xa: {  	[smem:$0x3FAB] =	sst s2  }
0xb: {  	[smem:$0x3FAC] =	sst s3  }
0xc: {  	[smem:$0x3FAD] =	sst s4  }
0xd: {  	[smem:$0x3FAE] =	sst s5  }
0xe: {  	[smem:$0x3FAF] =	sst s6  }
0xf: {  	[smem:$0x3FB0] =	sst s7  }
0x10: {  	[smem:$0x3FB1] =	sst s8  }
0x11: {  	[smem:$0x3FB2] =	sst s9;
	s0 =	simm.s32 @!p0 $0x0  }
0x12: {  	s1 =	sld [smem:$0x3F98];
	s0 =	simm.s32 @p0 $0x1  }
0x13: {  	[smem:$0x3FB3] =	sst s0;
	s0 =	simm.s32 @!p1 $0x0  }
0x14: {  	s2 =	sld [smem:$0x3F97];
	s0 =	simm.s32 @p1 $0x1  }
0x15: {  	[smem:$0x3FB4] =	sst s0;
	s0 =	simm.s32 @!p2 $0x0  }
0x16: {  	s3 =	sld [smem:$0x3FDB];
	s0 =	simm.s32 @p2 $0x1  }
0x17: {  	s4 =	simm.s32 $0x1BF5;
	[smem:$0x3FB6] =	sst s0  }
0x18: {  	s0 =	sld [smem:$0x3F99];
	_ =	swait.ge [sflag:s4], $0x0  }
0x19: {  	s7 =	sld [smem:$0x3F9A]  }
0x1a: {  	s8 =	sadd.s32 $0xFFFFE003, lr  }
0x1b: {  	s9 =	sadd.s32 $0xFFFFFEF7, lr;
	s5 =	simm.s32 $0xFFFFFFFF;
	p2 =	slt.u32 s8, $0xFFFFF086  }
0x1c: {  	p1 =	slt.u32 s9, $0xF7A;
	s5 =	simm.s32 @!p2 $0x0  }
0x1d: {  	s5 =	simm.s32 @p1 $0x1;
	p0 =	seq.s32 s7, s2  }
0x1e: {  	s7 =	smul.u32 @!p0 $0xF7A, s2;
	p2 =	seq.s32 @!p0 s5, $0x0  }
0x1f: {  	s9 =	smul.u32 $0xF7A, s1;
	s8 =	simm.s32 @!p0 $0x1BF5;
	p2 =	por !p2, p0  }
0x20: {  	[sflag:s8] =	ssyncset.s32 @!p0 $0xFFFFF086;
	s6 =	sadd.s32 @!p0 s3, s7;
	s7 =	simm.s32 @!p0 $0x108  }
0x21: {  	s3 =	sadd.s32 s3, s9;
	s6 =	sadd.s32 @!p0 $0x88, s6;
	s7 =	simm.s32 @p2 $0x1082  }
0x22: {  	[simem:s7], [sflag:s8] =	dma.local @!p0 [hbm:s6], $0xF7A  }
0x23: {  	s9 =	sor.u32 $0xD0000000, s2;
	s6 =	simm.s32 $0x108;
	_ =	swait.ge @!p0 [sflag:s8], $0x0  }
0x24: {  	s3 =	sadd.s32 $0x88, s3;
	s6 =	simm.s32 @!p1 $0x1082;
	[sflag:s4] =	ssyncset.s32 $0xFFFFF086  }
0x25: {  	[simem:s6], [sflag:s4] =	dma.local [hbm:s3], $0xF7A  }
0x26: {  	[smem:$0x3F9A] =	sst s1;
	(tag) =	ssettag s2;
	_ =	strace s9  }
0x27: {  	s1 =	sld [smem:$0x3FAA]  }
0x28: {  	s2 =	sld [smem:$0x3FAB]  }
0x29: {  	s4 =	sld [smem:$0x3FAD]  }
0x2a: {  	p0 =	seq.s32 s5, $0x0;
	s5 =	sld [smem:$0x3FAE]  }
0x2b: {  	s6 =	sld [smem:$0x3FAF]  }
0x2c: {  	s7 =	sld [smem:$0x3FB0]  }
0x2d: {  	s3 =	simm.s32 $0x108;
	s8 =	sld [smem:$0x3FB1]  }
0x2e: {  	s3 =	simm.s32 @!p0 $0x1082;
	s9 =	sld [smem:$0x3FB2]  }
0x2f: {  	lr =	sadd.s32 s0, s3;
	s0 =	sld [smem:$0x3FA9]  }
0x30: {  	s3 =	sld [smem:$0x3FAC]  }
0x31: {  	[smem:$0x3FB5] =	sst s10  }
0x32: {  	s10 =	sld [smem:$0x3FB3];
	_ =	sdelay $0x3  }
0x33: {  	p0 =	seq.s32 s10, $0x1;
	s10 =	sld [smem:$0x3FB5];
	_ =	sdelay $0x3  }
0x34: {  	[smem:$0x3FB5] =	sst s10  }
0x35: {  	s10 =	sld [smem:$0x3FB4];
	_ =	sdelay $0x3  }
0x36: {  	p1 =	seq.s32 s10, $0x1;
	s10 =	sld [smem:$0x3FB5];
	_ =	sdelay $0x3  }
0x37: {  	[smem:$0x3FB5] =	sst s10  }
0x38: {  	s10 =	sld [smem:$0x3FB6]  }
0x39: {  	_ = 	snop;
	(pc) =	sbr.ind lr, $3  }
0x3a: {  	_ = 	snop  }
0x3b: {  	_ = 	snop  }
0x3c: {  	p2 =	seq.s32 s10, $0x1;
	s10 =	sld [smem:$0x3FB5]  }
0x3d: {  	_ =	shalt  }
0x3e: {  	_ =	shalt  }
0x3f: {  	_ =	shalt  }
0x40: {  	_ =	shalt  }
0x41: {  	_ =	shalt  }
0x42: {  	_ =	shalt  }
0x43: {  	_ =	shalt  }
0x44: {  	_ =	shalt  }
0x45: {  	_ =	shalt  }
0x46: {  	_ =	shalt  }
0x47: {  	_ =	shalt  }
0x48: {  	_ =	shalt  }
0x49: {  	_ =	shalt  }
0x4a: {  	_ =	shalt  }
0x4b: {  	_ =	shalt  }
0x4c: {  	_ =	shalt  }
0x4d: {  	_ =	shalt  }
0x4e: {  	_ =	shalt  }
0x4f: {  	_ =	shalt  }
0x50: {  	_ =	shalt  }
0x51: {  	_ =	shalt  }
0x52: {  	_ =	shalt  }
0x53: {  	_ =	shalt  }
0x54: {  	_ =	shalt  }
0x55: {  	_ =	shalt  }
0x56: {  	_ =	shalt  }
0x57: {  	_ =	shalt  }
0x58: {  	_ =	shalt  }
0x59: {  	_ =	shalt  }
0x5a: {  	_ =	shalt  }
0x5b: {  	_ =	shalt  }
0x5c: {  	_ =	shalt  }
0x5d: {  	_ =	shalt  }
0x5e: {  	_ =	shalt  }
0x5f: {  	_ =	shalt  }
0x60: {  	_ =	shalt  }
0x61: {  	_ =	shalt  }
0x62: {  	_ =	shalt  }
0x63: {  	_ =	shalt  }
0x64: {  	_ =	shalt  }
0x65: {  	_ =	shalt  }
0x66: {  	_ =	shalt  }
0x67: {  	_ =	shalt  }
0x68: {  	_ =	shalt  }
0x69: {  	_ =	shalt  }
0x6a: {  	_ =	shalt  }
0x6b: {  	_ =	shalt  }
0x6c: {  	_ =	shalt  }
0x6d: {  	_ =	shalt  }
0x6e: {  	_ =	shalt  }
0x6f: {  	_ =	shalt  }
0x70: {  	_ =	shalt  }
0x71: {  	_ =	shalt  }
0x72: {  	_ =	shalt  }
0x73: {  	_ =	shalt  }
0x74: {  	_ =	shalt  }
0x75: {  	_ =	shalt  }
0x76: {  	_ =	shalt  }
0x77: {  	_ =	shalt  }
0x78: {  	_ =	shalt  }
0x79: {  	_ =	shalt  }
0x7a: {  	_ =	shalt  }
0x7b: {  	_ =	shalt  }
0x7c: {  	_ =	shalt  }
0x7d: {  	_ =	shalt  }
0x7e: {  	_ =	shalt  }
0x7f: {  	_ =	shalt  }
0x80: {  	_ =	shalt  }
0x81: {  	_ =	shalt  }
0x82: {  	_ =	shalt  }
0x83: {  	_ =	shalt  }
0x84: {  	_ =	shalt  }
0x85: {  	_ =	shalt  }
0x86: {  	_ =	shalt  }
0x87: {  	_ =	shalt  }
.Lfunc_end0:
.L_simem_size_0:
called_computation_lowered:
.L_overlay_start_0:
0x88: {  	s2 =	sld [smem:$0x3FD9]  }
0x89: {  	s3 =	sld [smem:$0x3FFE];
	_ =	sdelay $0x1  }
0x8a: {  	s1 =	srdreg.scid  }
0x8b: {  	s0 =	sand.u32 $0x1, s1  }
0x8c: {  	s17 =	sshll.u32 s0, $0xA;
	s2 =	sadd.s32 s3, s2  }
0x8d: {  	s2 =	sadd.s32 s2, s17  }
0x8e: {  	[smem:$0x3FC1] =	sst s2  }
0x8f: {  	_ = 	snop  }
0x90: {  	s2 =	sld [smem:$0x3FC9]  }
0x91: {  	s18 =	sld [smem:$0x3FC8];
	(tm) =	ssettm $0x1  }
0x92: {  	s4 =	sld [smem:$0x3FFB];
	_ =	sdelay $0x3  }
0x93: {  	_ =	strace s4  }
0x94: {  	s4 =	sld [smem:$0x3FFC];
	_ =	sdelay $0x3  }
0x95: {  	_ =	strace s4  }
0x96: {  	s4 =	sld [smem:$0x3FFD];
	_ =	sdelay $0x3  }
0x97: {  	_ =	strace s4  }
0x98: {  	_ =	strace $0x8FFFFFFF  }
0x99: {  	s19 =	sld [smem:$0x3FDB];
	_ =	sdelay $0x1  }
0x9a: {  	s5 =	simm.s32 $_scs_section_size  }
0x9b: {  	s6 =	simm.s32 $_size__tile_overlayer_lowered;
	s7 =	simm.s32 $_tile_overlayer_lowered  }
0x9c: {  	s22 =	simm.s32 $0x1BFF;
	s21 =	sshll.u32 s7, $0x1;
	s4 =	sadd.s32 s5, s19  }
0x9d: {  	s8 =	simm.s32 $0x0;
	s20 =	sshll.u32 s6, $0x1;
	s6 =	sadd.s32 s21, s4  }
0x9e: {  	[timem:s8], [sflag:s22] =	dma.local [hbm:s6], s20  }
0x9f: {  	_ =	swait.ge [sflag:s22], s20  }
0xa0: {  	s5 =	ssub.s32 $0x0, s20;
	[sflag:s22] =	ssyncset.done $0x0  }
0xa1: {  	[sflag:s22] =	ssyncadd.s32 s5;
	_ =	sdelay $0x1  }
0xa2: {  	s23 =	simm.s32 $0x1B8B  }
0xa3: {  	_ =	swait.ge [sflag:s23], $0x1  }
0xa4: {  	[sflag:s23] =	ssyncset.done $0x0  }
0xa5: {  	s25 =	simm.s32 $0x1B8E;
	s24 =	sld [smem:$0x3FFE];
	[sflag:s23] =	ssyncadd.s32 $0xFFFFFFFF  }
0xa6: {  	s26 =	simm.s32 $execute0_lowered;
	[smem:$0x3FD2] =	sst s25  }
0xa7: {  	s6 =	sshll.u32 s26, $0x1;
	_ =	strace $0x80000046;
	[dreg:$0x1] =	wrdreg $0xFFFFFFFF  }
0xa8: {  	s28 =	simm.s32 $_size_execute0_lowered;
	s4 =	sadd.s32 s4, s6;
	[dreg:$0x0] =	wrdreg $0x0  }
0xa9: {  	s6 =	sshll.u32 s28, $0x1;
	[dreg:$0x2] =	wrdreg s4  }
0xaa: {  	[dreg:$0x3] =	wrdreg s6  }
0xab: {  	[dreg:$0x4] =	wrdreg $0xC0  }
0xac: {  	_ =	task [dreg:s8], $0x5FFFF  }
0xad: {  	[dreg:$0x1] =	wrdreg $0xFFFFFFFF  }
0xae: {  	[dreg:$0x0] =	wrdreg $0x60  }
0xaf: {  	[dreg:$0x2] =	wrdreg s24  }
0xb0: {  	[dreg:$0x3] =	wrdreg s18  }
0xb1: {  	[dreg:$0x4] =	wrdreg s2  }
0xb2: {  	[dreg:$0x5] =	wrdreg $0x9  }
0xb3: {  	_ =	task.clear_ibuf [dreg:s8], $0x6FFFF;
	_ =	strace $0x90000046  }
0xb4: {  	s29 =	simm.s32 $0x9;
	_ =	strace $0x80000048  }
0xb5: {  	_ =	swait.ge [sflag:s29], $0x1  }
0xb6: {  	[sflag:s29] =	ssyncadd.s32 $0xFFFFFFFF  }
0xb7: {  	_ =	strace $0x90000048  }
0xb8: {  	_ =	sfence  }
0xb9: {  	s30 =	sld [smem:$0x0];
	_ =	sdelay $0x2  }
0xba: {  	s31 =	sshll.u32 s1, $0xD;
	s1 =	sshrl.u32 s1, $0x2  }
0xbb: {  	s3 =	sand.u32 $0x4000, s31;
	s1 =	sadd.s32 s1, s30  }
0xbc: {  	s0 =	sor.u32 s3, s0;
	s1 =	sshll.u32 s1, $0x11  }
0xbd: {  	s0 =	sor.u32 s1, s0  }
0xbe: {  	s0 =	sadd.s32 $0x8F2B, s0  }
0xbf: {  	[sflag:s0] =	ssyncadd.remote.s32 $0x1  }
0xc0: {  	_ =	sfence.sel $0xFFFF  }
0xc1: {  	[dreg:$0x0] =	wrdreg $0xFFFFFFFF;
	(pc) =	sbr.abs _section_cstart, $3  }
0xc2: {  	[dreg:$0x1] =	wrdreg $0xFFFFFFFF  }
0xc3: {  	_ =	task.clear_ibuf [dreg:s8], $0x2FFFF;
	_ =	strace $0x9FFFFFFF  }
0xc4: {  	(tm) =	ssettm $0x7FFFFFFF  }
0xc5: {  	_ =	shalt  }
tec
execute0_lowered:
.L_overlay_start_1:
0x0: {  	(tag) =	ssettag $0x1  }
0x1: {  	s0 =	rddreg [dreg:$0x0]  }
0x2: {  	s1 =	rddreg [dreg:$0x1]  }
0x3: {  	s2 =	srdreg.scid;
	s4 =	stileid.u32  }
0x4: {  	s7 =	rddreg [dreg:$0x2];
	s19 =	simm.s32 $0x2800;
	s20 =	simm.s32 $0x2A00  }
0x5: {  	s21 =	simm.s32 $0x80;
	s22 =	simm.s32 $0x2C00;
	s28 =	simm.s32 $0x2A80  }
0x6: {  	s29 =	simm.s32 $0x2B00;
	s30 =	simm.s32 $0x2B80;
	s31 =	simm.s32 $0x0  }
0x7: {  	s11 =	sand.u32 $0x1, s2;
	s3 =	sshll.u32 s4, $0x1;
	s2 =	simm.s32 $0x0  }
0x8: {  	s5 =	smul.u32 $0x14000, s4;
	s4 =	sadd.s32 $0x187A00, s0;
	s12 =	sadd.s32 $0x15B000, s0  }
0x9: {  	s6 =	sor.u32 s11, s3;
	[smem:$0x7FF] =	sst s2;
	s18 =	smul.u32 $0xA000, s11  }
0xa: {  	s9 =	ssub.s32 $0x2, s11;
	s3 =	smul.u32 $0x500, s6;
	_ =	strace $0x80000047  }
0xb: {  	s16 =	sadd.s32 s5, s0;
	s23 =	sshrl.u32 s9, $0x1;
	s24 =	sshll.u32 s6, $0x6  }
0xc: {  	s13 =	sshll.u32 s6, $0xB;
	s9 =	ssub.s32 s9, s23;
	s6 =	sadd.s32 s1, s24  }
0xd: {  	s7 =	sadd.s32 s7, s24;
	s25 =	sor.u32 $0x200, s13;
	s15 =	sor.u32 $0x400, s13  }
0xe: {  	s17 =	sor.u32 $0x600, s13;
	s26 =	sadd.s32 s18, s16;
	s18 =	simm.s32 $0x2  }
0xf: {  	s23 =	simm.s32 $0x1;
	s8 =	sadd.s32 s3, s0;
	s3 =	sadd.s32 $0xF43400, s0  }
0x10: {  	s0 =	sadd.s32 $0x14B000, s0;
	s10 =	sadd.s32 s12, s25;
	s11 =	sadd.s32 s12, s15  }
0x11: {  	s5 =	sadd.s32 $0x1000, s8;
	s8 =	smax.u32 s9, $0x1;
	s9 =	sadd.s32 s12, s13  }
0x12: {  	s12 =	sadd.s32 s12, s17;
	s13 =	sadd.s32 s0, s13;
	s14 =	sadd.s32 s0, s25  }
0x13: {  	s15 =	sadd.s32 s0, s15;
	s16 =	sadd.s32 s0, s17;
	s17 =	sadd.s32 $0xB000, s26  }
.LBB2_1:
0x14: {  	[tilespmem:s2], [sflag:$0x2] =	stream.linear.gather [hbm4b:s5+s2], $0x2800, $0x38;
	[tilespmem:$0x3C00] =	vst v63  }
0x15: {  	_ =	swait.ge [sflag:s18], $0x2800  }
0x16: {  	[sflag:s18] =	ssyncset.done $0x0  }
0x17: {  	[sflag:s18] =	ssyncadd.s32 $0xFFFFD800  }
0x18: {  	[tilespmem:s19], [sflag:$0x2] =	stream.linear.gather [hbm4b:s6+s2], $0x200, $0x38;
	[tilespmem:$0x3C00] =	vst v63  }
0x19: {  	_ =	swait.ge [sflag:s18], $0x200  }
0x1a: {  	[sflag:s18] =	ssyncset.done $0x0  }
0x1b: {  	[sflag:s18] =	ssyncadd.s32 $0xFFFFFE00  }
0x1c: {  	[tilespmem:s20], [sflag:$0x2] =	stream.linear.gather [hbm4b:s7+s2], $0x200, $0x38;
	[tilespmem:$0x3C00] =	vst v63  }
0x1d: {  	_ =	swait.ge [sflag:s18], $0x200  }
0x1e: {  	[sflag:s18] =	ssyncset.done $0x0  }
0x1f: {  	s0 =	simm.s32 $0x0;
	[sflag:s18] =	ssyncadd.s32 $0xFFFFFE00  }
0x20: {  	[tilespmem:s22], [sflag:$0x1] =	stream.indirect.gather [hbm4b:s3+s21], $0x20, s0, s21, $0xb8;
	[tilespmem:$0x3C00] =	vst v63  }
0x21: {  	_ =	swait.ge [sflag:s23], $0x1000  }
0x22: {  	[sflag:s23] =	ssyncset.done $0x0  }
0x23: {  	s26 =	sadd.s32 $0x0, s17;
	[sflag:s23] =	ssyncadd.s32 $0xFFFFF000  }
0x24: {  	[hbm4b:s26+s2] =	stream.linear.scatter [tilespmem:s22], [sflag:$0x2], $0x1000, $0x38;
	[tilespmem:$0x3C00] =	vst v63  }
0x25: {  	_ =	swait.ge [sflag:s18], $0x1000  }
0x26: {  	s1 =	simm.s32 $0x200;
	s0 =	simm.s32 $0x400;
	[sflag:s18] =	ssyncset.done $0x0  }
.LBB2_2:
0x27: {  	s24 =	sshra.s32 s1, $0x2  }
0x28: {  	[sflag:s18] =	ssyncadd.s32 $0xFFFFF000;
	s25 =	smov.u32 s0;
	s26 =	sadd.s32 $0x200, s0  }
0x29: {  	[tilespmem:s22], [sflag:$0x1] =	stream.indirect.gather [hbm4b:s3+s21], $0x20, s24, s21, $0xb8;
	[tilespmem:$0x3C00] =	vst v63  }
0x2a: {  	p0 =	sne.s32 s0, $0x9E00;
	_ =	swait.ge [sflag:s23], $0x1000  }
.Ltmp0:
0x2b: {  	[sflag:s23] =	ssyncset.done $0x0;
	(pc) =	sbr.rel @p0 .LBB2_2-.Ltmp0, $4  }
0x2c: {  	s0 =	sadd.s32 s1, s17;
	s1 =	smov.u32 s25;
	[sflag:s23] =	ssyncadd.s32 $0xFFFFF000  }
0x2d: {  	[hbm4b:s0+s2] =	stream.linear.scatter [tilespmem:s22], [sflag:$0x2], $0x1000, $0x38;
	[tilespmem:$0x3C00] =	vst v63  }
0x2e: {  	_ =	swait.ge [sflag:s18], $0x1000  }
0x2f: {  	s0 =	smov.u32 s26;
	[sflag:s18] =	ssyncset.done $0x0  }
0x30: {  	s0 =	sshra.s32 s1, $0x2;
	[sflag:s18] =	ssyncadd.s32 $0xFFFFF000  }
0x31: {  	[tilespmem:s22], [sflag:$0x1] =	stream.indirect.gather [hbm4b:s3+s21], $0x20, s0, s21, $0xb8;
	[tilespmem:$0x3C00] =	vst v63  }
0x32: {  	_ =	swait.ge [sflag:s23], $0x1000  }
0x33: {  	[sflag:s23] =	ssyncset.done $0x0  }
0x34: {  	s1 =	sadd.s32 s1, s17;
	[sflag:s23] =	ssyncadd.s32 $0xFFFFF000  }
0x35: {  	[hbm4b:s1+s2] =	stream.linear.scatter [tilespmem:s22], [sflag:$0x2], $0x1000, $0x38;
	[tilespmem:$0x3C00] =	vst v63  }
0x36: {  	_ =	swait.ge [sflag:s18], $0x1000  }
0x37: {  	[sflag:s18] =	ssyncset.done $0x0  }
0x38: {  	[sflag:s18] =	ssyncadd.s32 $0xFFFFF000  }
0x39: {  	[tilespmem:s22], [sflag:$0x1] =	stream.indirect.gather [hbm4b:s3+s21], $0x20, s19, s21, $0xb8;
	[tilespmem:$0x3C00] =	vst v63  }
0x3a: {  	_ =	swait.ge [sflag:s23], $0x1000  }
0x3b: {  	[sflag:s23] =	ssyncset.done $0x0  }
0x3c: {  	[sflag:s23] =	ssyncadd.s32 $0xFFFFF000  }
0x3d: {  	[hbm4b:s9+s2] =	stream.linear.scatter [tilespmem:s22], [sflag:$0x2], $0x1000, $0x38;
	[tilespmem:$0x3C00] =	vst v63  }
0x3e: {  	_ =	swait.ge [sflag:s18], $0x1000  }
0x3f: {  	[sflag:s18] =	ssyncset.done $0x0  }
0x40: {  	s24 =	simm.s32 $0x2880;
	[sflag:s18] =	ssyncadd.s32 $0xFFFFF000  }
0x41: {  	[tilespmem:s22], [sflag:$0x1] =	stream.indirect.gather [hbm4b:s3+s21], $0x20, s24, s21, $0xb8;
	[tilespmem:$0x3C00] =	vst v63  }
0x42: {  	_ =	swait.ge [sflag:s23], $0x1000  }
0x43: {  	[sflag:s23] =	ssyncset.done $0x0  }
0x44: {  	[sflag:s23] =	ssyncadd.s32 $0xFFFFF000  }
0x45: {  	[hbm4b:s10+s2] =	stream.linear.scatter [tilespmem:s22], [sflag:$0x2], $0x1000, $0x38;
	[tilespmem:$0x3C00] =	vst v63  }
0x46: {  	_ =	swait.ge [sflag:s18], $0x1000  }
0x47: {  	[sflag:s18] =	ssyncset.done $0x0  }
0x48: {  	s25 =	simm.s32 $0x2900;
	[sflag:s18] =	ssyncadd.s32 $0xFFFFF000  }
0x49: {  	[tilespmem:s22], [sflag:$0x1] =	stream.indirect.gather [hbm4b:s3+s21], $0x20, s25, s21, $0xb8;
	[tilespmem:$0x3C00] =	vst v63  }
0x4a: {  	_ =	swait.ge [sflag:s23], $0x1000  }
0x4b: {  	[sflag:s23] =	ssyncset.done $0x0  }
0x4c: {  	[sflag:s23] =	ssyncadd.s32 $0xFFFFF000  }
0x4d: {  	[hbm4b:s11+s2] =	stream.linear.scatter [tilespmem:s22], [sflag:$0x2], $0x1000, $0x38;
	[tilespmem:$0x3C00] =	vst v63  }
0x4e: {  	_ =	swait.ge [sflag:s18], $0x1000  }
0x4f: {  	[sflag:s18] =	ssyncset.done $0x0  }
0x50: {  	s26 =	simm.s32 $0x2980;
	[sflag:s18] =	ssyncadd.s32 $0xFFFFF000  }
0x51: {  	[tilespmem:s22], [sflag:$0x1] =	stream.indirect.gather [hbm4b:s3+s21], $0x20, s26, s21, $0xb8;
	[tilespmem:$0x3C00] =	vst v63  }
0x52: {  	_ =	swait.ge [sflag:s23], $0x1000  }
0x53: {  	[sflag:s23] =	ssyncset.done $0x0  }
0x54: {  	[sflag:s23] =	ssyncadd.s32 $0xFFFFF000  }
0x55: {  	[hbm4b:s12+s2] =	stream.linear.scatter [tilespmem:s22], [sflag:$0x2], $0x1000, $0x38;
	[tilespmem:$0x3C00] =	vst v63  }
0x56: {  	_ =	swait.ge [sflag:s18], $0x1000  }
0x57: {  	[sflag:s18] =	ssyncset.done $0x0  }
0x58: {  	[sflag:s18] =	ssyncadd.s32 $0xFFFFF000  }
0x59: {  	[tilespmem:s22], [sflag:$0x1] =	stream.indirect.gather [hbm4b:s4+s21], $0x20, s20, s21, $0xb8;
	[tilespmem:$0x3C00] =	vst v63  }
0x5a: {  	_ =	swait.ge [sflag:s23], $0x1000  }
0x5b: {  	[sflag:s23] =	ssyncset.done $0x0  }
0x5c: {  	[sflag:s23] =	ssyncadd.s32 $0xFFFFF000  }
0x5d: {  	[hbm4b:s13+s2] =	stream.linear.scatter [tilespmem:s22], [sflag:$0x2], $0x1000, $0x38;
	[tilespmem:$0x3C00] =	vst v63  }
0x5e: {  	_ =	swait.ge [sflag:s18], $0x1000  }
0x5f: {  	[sflag:s18] =	ssyncset.done $0x0  }
0x60: {  	[sflag:s18] =	ssyncadd.s32 $0xFFFFF000  }
0x61: {  	[tilespmem:s22], [sflag:$0x1] =	stream.indirect.gather [hbm4b:s4+s21], $0x20, s28, s21, $0xb8;
	[tilespmem:$0x3C00] =	vst v63  }
0x62: {  	_ =	swait.ge [sflag:s23], $0x1000  }
0x63: {  	[sflag:s23] =	ssyncset.done $0x0  }
0x64: {  	[sflag:s23] =	ssyncadd.s32 $0xFFFFF000  }
0x65: {  	[hbm4b:s14+s2] =	stream.linear.scatter [tilespmem:s22], [sflag:$0x2], $0x1000, $0x38;
	[tilespmem:$0x3C00] =	vst v63  }
0x66: {  	_ =	swait.ge [sflag:s18], $0x1000  }
0x67: {  	[sflag:s18] =	ssyncset.done $0x0  }
0x68: {  	[sflag:s18] =	ssyncadd.s32 $0xFFFFF000  }
0x69: {  	[tilespmem:s22], [sflag:$0x1] =	stream.indirect.gather [hbm4b:s4+s21], $0x20, s29, s21, $0xb8;
	[tilespmem:$0x3C00] =	vst v63  }
0x6a: {  	_ =	swait.ge [sflag:s23], $0x1000  }
0x6b: {  	[sflag:s23] =	ssyncset.done $0x0  }
0x6c: {  	[sflag:s23] =	ssyncadd.s32 $0xFFFFF000  }
0x6d: {  	[hbm4b:s15+s2] =	stream.linear.scatter [tilespmem:s22], [sflag:$0x2], $0x1000, $0x38;
	[tilespmem:$0x3C00] =	vst v63  }
0x6e: {  	_ =	swait.ge [sflag:s18], $0x1000  }
0x6f: {  	[sflag:s18] =	ssyncset.done $0x0  }
0x70: {  	[sflag:s18] =	ssyncadd.s32 $0xFFFFF000  }
0x71: {  	[tilespmem:s22], [sflag:$0x1] =	stream.indirect.gather [hbm4b:s4+s21], $0x20, s30, s21, $0xb8;
	[tilespmem:$0x3C00] =	vst v63  }
0x72: {  	s31 =	sadd.s32 $0x1, s31;
	_ =	swait.ge [sflag:s23], $0x1000  }
0x73: {  	p0 =	sne.s32 s31, s8;
	[sflag:s23] =	ssyncset.done $0x0  }
.Ltmp1:
0x74: {  	[sflag:s23] =	ssyncadd.s32 $0xFFFFF000;
	(pc) =	sbr.rel @p0 .LBB2_1-.Ltmp1, $4  }
0x75: {  	[hbm4b:s16+s2] =	stream.linear.scatter [tilespmem:s22], [sflag:$0x2], $0x1000, $0x38;
	[tilespmem:$0x3C00] =	vst v63  }
0x76: {  	_ =	swait.ge [sflag:s18], $0x1000  }
0x77: {  	[sflag:s18] =	ssyncset.done $0x0  }
0x78: {  	[sflag:s18] =	ssyncadd.s32 $0xFFFFF000  }
0x79: {  	_ =	sfence.sel $0x180000  }
0x7a: {  	[bflag:$0x0] =	sbarrier.arrive $0xFFFF  }
0x7b: {  	_ =	strace $0x90000047  }
0x7c: {  	s0 =	stileid.u32;
	[bflag:$0x2] =	sbarrier.arrive $0xFFFF  }
0x7d: {  	p0 =	sne.s32 s0, $0x0;
	s0 =	rddreg [dreg:$0x3]  }
0x7e: {  	s0 =	sadd.s32 @!p0 $0x100000, s0  }
0x7f: {  	[sflag:s0] =	ssyncadd.tile.s32 @!p0 $0x1;
	_ =	shalt  }
.Lfunc_end2:
_tile_overlayer_lowered:
.L_overlay_start_2:
0x80: {  	(tag) =	ssettag $0x2  }
0x81: {  	s0 =	rddreg [dreg:$0x0];
	s2 =	stileid.u32  }
0x82: {  	s1 =	rddreg [dreg:$0x1];
	p0 =	sne.s32 s2, $0x0  }
0x83: {  	s3 =	rddreg [dreg:$0x2];
	[bflag:$0x3] =	sbarrier.arrive $0xFFFF;
	s2 =	simm.s32 @!p0 $0x1C02  }
0x84: {  	[timem:s3], [sflag:s2] =	dma.local @!p0 [hbm:s0], s1  }
0x85: {  	s0 =	simm.s32 @!p0 $0x2  }
0x86: {  	_ =	swait.ge @!p0 [sflag:s0], s1  }
0x87: {  	s1 =	ssub.s32 @!p0 $0x0, s1;
	[sflag:s0] =	ssyncset.done @!p0 $0x0  }
0x88: {  	[sflag:s0] =	ssyncadd.s32 @!p0 s1  }
0x89: {  	[bflag:$0x3] =	sbarrier.arrive $0xFFFF  }
0x8a: {  	_ =	shalt  }

</sc_bundles>
